<compile_context>
chip_gen: v7x
topology: tpu7x:2x2x1
jax: 0.10.2.dev20260603
libtpu: 0.0.44.dev20260713+nightly
codegen_flags: <defaults>
</compile_context>

<pallas_src>
import jax
import jax.numpy as jnp
from jax import lax
from jax.experimental import pallas as pl
from jax.experimental.pallas import tpu as pltpu
from jax.experimental.pallas import tpu_sc as plsc

VOCAB = 1000000
EMB = 64
BATCH = 16384

_NC = 2
_NS = 16
_NW = _NC * _NS
_B_TOTAL = 2 * BATCH
_B_PER_W = _B_TOTAL // _NW
_CHUNK = 128
_ROWS_PER_BUF = 512
_N_BUFS = _B_PER_W // _ROWS_PER_BUF

_VB = 8192
_NBLK = 31
_S = _NBLK * _VB
_LASTBLK = VOCAB // _VB


def _pack_pair(a, b):
    au = lax.bitcast_convert_type(a.astype(jnp.bfloat16), jnp.uint16).astype(jnp.uint32)
    bu = lax.bitcast_convert_type(b.astype(jnp.bfloat16), jnp.uint16).astype(jnp.uint32)
    return au | (bu << 16)


def _repack_body(q0_ref, q1_ref, q2_ref, q3_ref, out_ref):
    p01 = _pack_pair(q0_ref[...], q1_ref[...])
    p23 = _pack_pair(q2_ref[...], q3_ref[...])
    out_ref[...] = lax.bitcast_convert_type(
        jnp.concatenate([p01.T, p23.T], axis=1), jnp.int32)


def _tc_repack(tablet):
    return pl.pallas_call(
        _repack_body,
        grid=(_NBLK,),
        in_specs=[
            pl.BlockSpec((EMB, _VB), lambda i: (0, i)),
            pl.BlockSpec((EMB, _VB), lambda i: (0, i + _NBLK)),
            pl.BlockSpec((EMB, _VB), lambda i: (0, i + 2 * _NBLK)),
            pl.BlockSpec((EMB, _VB), lambda i: (0, jnp.minimum(i + 3 * _NBLK, _LASTBLK))),
        ],
        out_specs=pl.BlockSpec((_VB, 2 * EMB), lambda i: (i, 0)),
        out_shape=jax.ShapeDtypeStruct((_S, 2 * EMB), jnp.int32),
    )(tablet, tablet, tablet, tablet)


def _sc_gather_body(packed_hbm, idx_hbm, out_hbm, idx_v, rows_v, sem):
    wid = lax.axis_index("s") * _NC + lax.axis_index("c")
    base = wid * _B_PER_W
    pltpu.sync_copy(idx_hbm.at[pl.ds(wid * (_B_PER_W // _CHUNK), _B_PER_W // _CHUNK)], idx_v)
    for c in range(_N_BUFS):
        copies = [
            pltpu.async_copy(
                packed_hbm.at[idx_v.at[c * (_ROWS_PER_BUF // _CHUNK) + j]],
                rows_v.at[pl.ds(j * _CHUNK, _CHUNK)],
                sem,
            )
            for j in range(_ROWS_PER_BUF // _CHUNK)
        ]
        for cp in copies:
            cp.wait()
        pltpu.sync_copy(rows_v, out_hbm.at[pl.ds(base + c * _ROWS_PER_BUF, _ROWS_PER_BUF)])


def _sc_gather(packed, idx2d):
    mesh = plsc.VectorSubcoreMesh(core_axis_name="c", subcore_axis_name="s")
    return pl.kernel(
        _sc_gather_body,
        out_type=jax.ShapeDtypeStruct((_B_TOTAL, 2 * EMB), jnp.int32),
        mesh=mesh,
        scratch_types=[
            pltpu.VMEM((_B_PER_W // _CHUNK, _CHUNK), jnp.int32),
            pltpu.VMEM((_ROWS_PER_BUF, 2 * EMB), jnp.int32),
            pltpu.SemaphoreType.DMA,
        ],
        compiler_params=pltpu.CompilerParams(use_tc_tiling_on_sc=True),
    )(packed, idx2d)


_BM = 4096


def _unpack_select(x, q):
    xu = lax.bitcast_convert_type(x, jnp.uint32)
    xh = jnp.where(q >= 2, xu[:, EMB:], xu[:, :EMB])
    lo_f = lax.bitcast_convert_type(xh << 16, jnp.float32)
    hi_f = lax.bitcast_convert_type(xh & jnp.uint32(0xFFFF0000), jnp.float32)
    return jnp.where((q & 1) == 1, hi_f, lo_f)


def _mlp_body(x1_ref, x2_ref, q1_ref, q2_ref, w1_ref, b1_ref, w2t_ref, b2_ref, out_ref):
    w1 = w1_ref[...]
    h_emb = _unpack_select(x1_ref[...], q1_ref[...])
    t_emb = _unpack_select(x2_ref[...], q2_ref[...])
    h = jnp.dot(h_emb, w1[:EMB], preferred_element_type=jnp.float32)
    h = h + jnp.dot(t_emb, w1[EMB:], preferred_element_type=jnp.float32)
    h = jnp.maximum(h + b1_ref[...], 0.0)
    out = jnp.sum(h * w2t_ref[...], axis=1, keepdims=True) + b2_ref[...]
    out_ref[...] = out


def _tc_mlp(embg, quarter, W1, b1, W2, b2):
    nblk = BATCH // _BM
    return pl.pallas_call(
        _mlp_body,
        grid=(nblk,),
        in_specs=[
            pl.BlockSpec((_BM, 2 * EMB), lambda i: (i, 0)),
            pl.BlockSpec((_BM, 2 * EMB), lambda i: (i + nblk, 0)),
            pl.BlockSpec((_BM, 1), lambda i: (i, 0)),
            pl.BlockSpec((_BM, 1), lambda i: (i + nblk, 0)),
            pl.BlockSpec((2 * EMB, EMB), lambda i: (0, 0)),
            pl.BlockSpec((1, EMB), lambda i: (0, 0)),
            pl.BlockSpec((1, EMB), lambda i: (0, 0)),
            pl.BlockSpec((1, 1), lambda i: (0, 0)),
        ],
        out_specs=pl.BlockSpec((_BM, 1), lambda i: (i, 0)),
        out_shape=jax.ShapeDtypeStruct((BATCH, 1), jnp.float32),
    )(embg, embg, quarter, quarter, W1, b1.reshape(1, EMB), W2.reshape(1, EMB), b2.reshape(1, 1))


def kernel(head, tail, table, W1, b1, W2, b2):
    idx = jnp.concatenate([head, tail]).astype(jnp.int32)
    q = idx // _S
    g = idx - q * _S
    g2d = g.reshape(_B_TOTAL // _CHUNK, _CHUNK)
    packed = _tc_repack(table.T)
    embg = _sc_gather(packed, g2d)
    return _tc_mlp(embg, q.reshape(_B_TOTAL, 1), W1, b1, W2, b2)

# --- scband reference (transcript-rebuilt; emitter-appended) ---
"""Pipeline reference for scband-model-23201413333075 (READ-ONLY COPY).

The authoritative reference and input builder live on the scoring server;
editing this copy changes nothing except your own understanding.
"""

import jax, jax.numpy as jnp
import numpy as np

VOCAB = 1000000
EMB = 64
BATCH = 16384


def setup_inputs(seed: int = 0) -> dict:
    key = jax.random.key(seed)
    ks = jax.random.split(key, 6)
    head = jax.random.randint(ks[0], (BATCH,), 0, VOCAB)
    tail = jax.random.randint(ks[1], (BATCH,), 0, VOCAB)
    table = jax.random.normal(ks[2], (VOCAB, EMB), dtype=jnp.float32) * 0.02
    W1 = jax.random.normal(ks[3], (2 * EMB, EMB), dtype=jnp.float32) * 0.05
    b1 = jnp.zeros((EMB,), dtype=jnp.float32)
    W2 = jax.random.normal(ks[4], (EMB, 1), dtype=jnp.float32) * 0.05
    b2 = jnp.zeros((1,), dtype=jnp.float32)
    return {"head": head, "tail": tail, "table": table, "W1": W1, "b1": b1, "W2": W2, "b2": b2}


def reference(head, tail, table, W1, b1, W2, b2):
    # embedding_model(head), embedding_model(tail)
    head_emb = jnp.take(table, head, axis=0)
    tail_emb = jnp.take(table, tail, axis=0)
    # filter_model(torch.cat([head_emb, tail_emb], dim=-1))
    x = jnp.concatenate([head_emb, tail_emb], axis=-1)
    h = jnp.maximum(x @ W1 + b1, 0.0)
    out = h @ W2 + b2
    return out

if __name__ == "__main__":
    import jax
    _d = setup_inputs()
    print(jax.jit(kernel)(*tuple(_d.values())))

</pallas_src>

<mosaic_0001>
#map = affine_map<(d0, d1) -> (0, 0)>
module attributes {stable_mosaic.version = 14 : i64} {
  func.func @_sc_gather_body(%arg0: i32, %arg1: i32, %arg2: memref<253952x128xi32, #tpu.memory_space<hbm>>, %arg3: memref<256x128xi32, #tpu.memory_space<hbm>>, %arg4: memref<32768x128xi32, #tpu.memory_space<hbm>>, %arg5: memref<8x128xi32, #tpu.memory_space<vmem>>, %arg6: memref<512x128xi32, #tpu.memory_space<vmem>>, %arg7: memref<!tpu.dma_semaphore, #tpu.memory_space<semaphore_mem>>) attributes {dimension_semantics = [#tpu.dimension_semantics<core_parallel>, #tpu.dimension_semantics<subcore_parallel>], iteration_bounds = array<i64: 2, 16>, scalar_prefetch = 0 : i64, scratch_operands = 3 : i64, tpu.core_type = #tpu.core_type<sc_vector_subcore>, window_params = [{transform_indices = #map}, {transform_indices = #map}, {transform_indices = #map}]} {
    %mul3A = arith.constant 2 : i32
    %mul3A_0 = arith.muli %arg1, %mul3A : i32
    %add3A = arith.addi %mul3A_0, %arg0 : i32
    %mul3A_1 = arith.constant 1024 : i32
    %mul3A_2 = arith.muli %add3A, %mul3A_1 : i32
    %mul3A_3 = arith.constant 8 : i32
    %mul3A_4 = arith.muli %add3A, %mul3A_3 : i32
    "tpu.region"() ({
      %run_scoped3A = tpu.sem_alloc : memref<!tpu.dma_semaphore, #tpu.memory_space<semaphore_mem>>
      %dma_start3A_167 = arith.constant 0 : i32
      %dma_start3A_168 = tpu.memref_slice %arg3[%mul3A_4, %dma_start3A_167] : memref<256x128xi32, #tpu.memory_space<hbm>> -> memref<8x128xi32, #tpu.memory_space<hbm>>
      %dma_start3A_169 = arith.constant 0 : i32
      %dma_start3A_170 = tpu.memref_slice %arg3[%mul3A_4, %dma_start3A_169] : memref<256x128xi32, #tpu.memory_space<hbm>> -> memref<8x128xi32, #tpu.memory_space<hbm>>
      tpu.enqueue_dma source(%dma_start3A_170 : memref<8x128xi32, #tpu.memory_space<hbm>>) target(%arg5 : memref<8x128xi32, #tpu.memory_space<vmem>>) target_semaphore(%run_scoped3A : memref<!tpu.dma_semaphore, #tpu.memory_space<semaphore_mem>>)
      %dma_wait3A_171 = arith.constant 0 : i32
      %dma_wait3A_172 = tpu.memref_slice %arg3[%mul3A_4, %dma_wait3A_171] : memref<256x128xi32, #tpu.memory_space<hbm>> -> memref<8x128xi32, #tpu.memory_space<hbm>>
      %dma_wait3A_173 = arith.constant 0 : i32
      %dma_wait3A_174 = tpu.memref_slice %arg3[%mul3A_4, %dma_wait3A_173] : memref<256x128xi32, #tpu.memory_space<hbm>> -> memref<8x128xi32, #tpu.memory_space<hbm>>
      tpu.wait_dma2 semaphore(%run_scoped3A : memref<!tpu.dma_semaphore, #tpu.memory_space<semaphore_mem>>) src(%dma_wait3A_174 : memref<8x128xi32, #tpu.memory_space<hbm>>) dst(%arg5 : memref<8x128xi32, #tpu.memory_space<vmem>>)
      tpu.yield
    }) : () -> ()
    %dma_start3A = arith.constant 0 : i32
    %dma_start3A_5 = arith.constant 0 : i32
    %dma_start3A_6 = arith.constant 0 : i32
    %dma_start3A_7 = tpu.memref_slice %arg6[%dma_start3A_5, %dma_start3A_6] : memref<512x128xi32, #tpu.memory_space<vmem>> -> memref<128x128xi32, #tpu.memory_space<vmem>>
    %dma_start3A_8 = arith.constant 0 : i32
    %dma_start3A_9 = tpu.memref_slice %arg5[%dma_start3A, %dma_start3A_8] : memref<8x128xi32, #tpu.memory_space<vmem>> -> memref<1x128xi32, #tpu.memory_space<vmem>>
    %dma_start3A_10 = tpu.memref_squeeze %dma_start3A_9 : memref<1x128xi32, #tpu.memory_space<vmem>> -> memref<128xi32, #tpu.memory_space<vmem>>
    %dma_start3A_11 = arith.constant 0 : i32
    %dma_start3A_12 = arith.constant 0 : i32
    %dma_start3A_13 = tpu.memref_slice %arg2[%dma_start3A_11, %dma_start3A_12] : memref<253952x128xi32, #tpu.memory_space<hbm>> -> memref<253952x128xi32, #tpu.memory_space<hbm>>
    tpu.enqueue_indirect_dma source(%dma_start3A_13 : memref<253952x128xi32, #tpu.memory_space<hbm>>) target(%dma_start3A_7 : memref<128x128xi32, #tpu.memory_space<vmem>>) offsets(%dma_start3A_10 : memref<128xi32, #tpu.memory_space<vmem>>) semaphore(%arg7 : memref<!tpu.dma_semaphore, #tpu.memory_space<semaphore_mem>>)
    %dma_start3A_14 = arith.constant 1 : i32
    %dma_start3A_15 = arith.constant 128 : i32
    %dma_start3A_16 = arith.constant 0 : i32
    %dma_start3A_17 = tpu.memref_slice %arg6[%dma_start3A_15, %dma_start3A_16] : memref<512x128xi32, #tpu.memory_space<vmem>> -> memref<128x128xi32, #tpu.memory_space<vmem>>
    %dma_start3A_18 = arith.constant 0 : i32
    %dma_start3A_19 = tpu.memref_slice %arg5[%dma_start3A_14, %dma_start3A_18] : memref<8x128xi32, #tpu.memory_space<vmem>> -> memref<1x128xi32, #tpu.memory_space<vmem>>
    %dma_start3A_20 = tpu.memref_squeeze %dma_start3A_19 : memref<1x128xi32, #tpu.memory_space<vmem>> -> memref<128xi32, #tpu.memory_space<vmem>>
    %dma_start3A_21 = arith.constant 0 : i32
    %dma_start3A_22 = arith.constant 0 : i32
    %dma_start3A_23 = tpu.memref_slice %arg2[%dma_start3A_21, %dma_start3A_22] : memref<253952x128xi32, #tpu.memory_space<hbm>> -> memref<253952x128xi32, #tpu.memory_space<hbm>>
    tpu.enqueue_indirect_dma source(%dma_start3A_23 : memref<253952x128xi32, #tpu.memory_space<hbm>>) target(%dma_start3A_17 : memref<128x128xi32, #tpu.memory_space<vmem>>) offsets(%dma_start3A_20 : memref<128xi32, #tpu.memory_space<vmem>>) semaphore(%arg7 : memref<!tpu.dma_semaphore, #tpu.memory_space<semaphore_mem>>)
    %dma_start3A_24 = arith.constant 2 : i32
    %dma_start3A_25 = arith.constant 256 : i32
    %dma_start3A_26 = arith.constant 0 : i32
    %dma_start3A_27 = tpu.memref_slice %arg6[%dma_start3A_25, %dma_start3A_26] : memref<512x128xi32, #tpu.memory_space<vmem>> -> memref<128x128xi32, #tpu.memory_space<vmem>>
    %dma_start3A_28 = arith.constant 0 : i32
    %dma_start3A_29 = tpu.memref_slice %arg5[%dma_start3A_24, %dma_start3A_28] : memref<8x128xi32, #tpu.memory_space<vmem>> -> memref<1x128xi32, #tpu.memory_space<vmem>>
    %dma_start3A_30 = tpu.memref_squeeze %dma_start3A_29 : memref<1x128xi32, #tpu.memory_space<vmem>> -> memref<128xi32, #tpu.memory_space<vmem>>
    %dma_start3A_31 = arith.constant 0 : i32
    %dma_start3A_32 = arith.constant 0 : i32
    %dma_start3A_33 = tpu.memref_slice %arg2[%dma_start3A_31, %dma_start3A_32] : memref<253952x128xi32, #tpu.memory_space<hbm>> -> memref<253952x128xi32, #tpu.memory_space<hbm>>
    tpu.enqueue_indirect_dma source(%dma_start3A_33 : memref<253952x128xi32, #tpu.memory_space<hbm>>) target(%dma_start3A_27 : memref<128x128xi32, #tpu.memory_space<vmem>>) offsets(%dma_start3A_30 : memref<128xi32, #tpu.memory_space<vmem>>) semaphore(%arg7 : memref<!tpu.dma_semaphore, #tpu.memory_space<semaphore_mem>>)
    %dma_start3A_34 = arith.constant 3 : i32
    %dma_start3A_35 = arith.constant 384 : i32
    %dma_start3A_36 = arith.constant 0 : i32
    %dma_start3A_37 = tpu.memref_slice %arg6[%dma_start3A_35, %dma_start3A_36] : memref<512x128xi32, #tpu.memory_space<vmem>> -> memref<128x128xi32, #tpu.memory_space<vmem>>
    %dma_start3A_38 = arith.constant 0 : i32
    %dma_start3A_39 = tpu.memref_slice %arg5[%dma_start3A_34, %dma_start3A_38] : memref<8x128xi32, #tpu.memory_space<vmem>> -> memref<1x128xi32, #tpu.memory_space<vmem>>
    %dma_start3A_40 = tpu.memref_squeeze %dma_start3A_39 : memref<1x128xi32, #tpu.memory_space<vmem>> -> memref<128xi32, #tpu.memory_space<vmem>>
    %dma_start3A_41 = arith.constant 0 : i32
    %dma_start3A_42 = arith.constant 0 : i32
    %dma_start3A_43 = tpu.memref_slice %arg2[%dma_start3A_41, %dma_start3A_42] : memref<253952x128xi32, #tpu.memory_space<hbm>> -> memref<253952x128xi32, #tpu.memory_space<hbm>>
    tpu.enqueue_indirect_dma source(%dma_start3A_43 : memref<253952x128xi32, #tpu.memory_space<hbm>>) target(%dma_start3A_37 : memref<128x128xi32, #tpu.memory_space<vmem>>) offsets(%dma_start3A_40 : memref<128xi32, #tpu.memory_space<vmem>>) semaphore(%arg7 : memref<!tpu.dma_semaphore, #tpu.memory_space<semaphore_mem>>)
    %dma_wait3A = arith.constant 0 : i32
    %dma_wait3A_44 = arith.constant 0 : i32
    %dma_wait3A_45 = arith.constant 0 : i32
    %dma_wait3A_46 = tpu.memref_slice %arg6[%dma_wait3A_44, %dma_wait3A_45] : memref<512x128xi32, #tpu.memory_space<vmem>> -> memref<128x128xi32, #tpu.memory_space<vmem>>
    %dma_wait3A_47 = arith.constant 0 : i32
    %dma_wait3A_48 = tpu.memref_slice %arg5[%dma_wait3A, %dma_wait3A_47] : memref<8x128xi32, #tpu.memory_space<vmem>> -> memref<1x128xi32, #tpu.memory_space<vmem>>
    %dma_wait3A_49 = tpu.memref_squeeze %dma_wait3A_48 : memref<1x128xi32, #tpu.memory_space<vmem>> -> memref<128xi32, #tpu.memory_space<vmem>>
    %dma_wait3A_50 = arith.constant 0 : i32
    %dma_wait3A_51 = arith.constant 0 : i32
    %dma_wait3A_52 = tpu.memref_slice %arg2[%dma_wait3A_50, %dma_wait3A_51] : memref<253952x128xi32, #tpu.memory_space<hbm>> -> memref<253952x128xi32, #tpu.memory_space<hbm>>
    tpu.wait_indirect_dma semaphore(%arg7 : memref<!tpu.dma_semaphore, #tpu.memory_space<semaphore_mem>>) src(%dma_wait3A_52 : memref<253952x128xi32, #tpu.memory_space<hbm>>) dst(%dma_wait3A_46 : memref<128x128xi32, #tpu.memory_space<vmem>>)
    %dma_wait3A_53 = arith.constant 1 : i32
    %dma_wait3A_54 = arith.constant 128 : i32
    %dma_wait3A_55 = arith.constant 0 : i32
    %dma_wait3A_56 = tpu.memref_slice %arg6[%dma_wait3A_54, %dma_wait3A_55] : memref<512x128xi32, #tpu.memory_space<vmem>> -> memref<128x128xi32, #tpu.memory_space<vmem>>
    %dma_wait3A_57 = arith.constant 0 : i32
    %dma_wait3A_58 = tpu.memref_slice %arg5[%dma_wait3A_53, %dma_wait3A_57] : memref<8x128xi32, #tpu.memory_space<vmem>> -> memref<1x128xi32, #tpu.memory_space<vmem>>
    %dma_wait3A_59 = tpu.memref_squeeze %dma_wait3A_58 : memref<1x128xi32, #tpu.memory_space<vmem>> -> memref<128xi32, #tpu.memory_space<vmem>>
    %dma_wait3A_60 = arith.constant 0 : i32
    %dma_wait3A_61 = arith.constant 0 : i32
    %dma_wait3A_62 = tpu.memref_slice %arg2[%dma_wait3A_60, %dma_wait3A_61] : memref<253952x128xi32, #tpu.memory_space<hbm>> -> memref<253952x128xi32, #tpu.memory_space<hbm>>
    tpu.wait_indirect_dma semaphore(%arg7 : memref<!tpu.dma_semaphore, #tpu.memory_space<semaphore_mem>>) src(%dma_wait3A_62 : memref<253952x128xi32, #tpu.memory_space<hbm>>) dst(%dma_wait3A_56 : memref<128x128xi32, #tpu.memory_space<vmem>>)
    %dma_wait3A_63 = arith.constant 2 : i32
    %dma_wait3A_64 = arith.constant 256 : i32
    %dma_wait3A_65 = arith.constant 0 : i32
    %dma_wait3A_66 = tpu.memref_slice %arg6[%dma_wait3A_64, %dma_wait3A_65] : memref<512x128xi32, #tpu.memory_space<vmem>> -> memref<128x128xi32, #tpu.memory_space<vmem>>
    %dma_wait3A_67 = arith.constant 0 : i32
    %dma_wait3A_68 = tpu.memref_slice %arg5[%dma_wait3A_63, %dma_wait3A_67] : memref<8x128xi32, #tpu.memory_space<vmem>> -> memref<1x128xi32, #tpu.memory_space<vmem>>
    %dma_wait3A_69 = tpu.memref_squeeze %dma_wait3A_68 : memref<1x128xi32, #tpu.memory_space<vmem>> -> memref<128xi32, #tpu.memory_space<vmem>>
    %dma_wait3A_70 = arith.constant 0 : i32
    %dma_wait3A_71 = arith.constant 0 : i32
    %dma_wait3A_72 = tpu.memref_slice %arg2[%dma_wait3A_70, %dma_wait3A_71] : memref<253952x128xi32, #tpu.memory_space<hbm>> -> memref<253952x128xi32, #tpu.memory_space<hbm>>
    tpu.wait_indirect_dma semaphore(%arg7 : memref<!tpu.dma_semaphore, #tpu.memory_space<semaphore_mem>>) src(%dma_wait3A_72 : memref<253952x128xi32, #tpu.memory_space<hbm>>) dst(%dma_wait3A_66 : memref<128x128xi32, #tpu.memory_space<vmem>>)
    %dma_wait3A_73 = arith.constant 3 : i32
    %dma_wait3A_74 = arith.constant 384 : i32
    %dma_wait3A_75 = arith.constant 0 : i32
    %dma_wait3A_76 = tpu.memref_slice %arg6[%dma_wait3A_74, %dma_wait3A_75] : memref<512x128xi32, #tpu.memory_space<vmem>> -> memref<128x128xi32, #tpu.memory_space<vmem>>
    %dma_wait3A_77 = arith.constant 0 : i32
    %dma_wait3A_78 = tpu.memref_slice %arg5[%dma_wait3A_73, %dma_wait3A_77] : memref<8x128xi32, #tpu.memory_space<vmem>> -> memref<1x128xi32, #tpu.memory_space<vmem>>
    %dma_wait3A_79 = tpu.memref_squeeze %dma_wait3A_78 : memref<1x128xi32, #tpu.memory_space<vmem>> -> memref<128xi32, #tpu.memory_space<vmem>>
    %dma_wait3A_80 = arith.constant 0 : i32
    %dma_wait3A_81 = arith.constant 0 : i32
    %dma_wait3A_82 = tpu.memref_slice %arg2[%dma_wait3A_80, %dma_wait3A_81] : memref<253952x128xi32, #tpu.memory_space<hbm>> -> memref<253952x128xi32, #tpu.memory_space<hbm>>
    tpu.wait_indirect_dma semaphore(%arg7 : memref<!tpu.dma_semaphore, #tpu.memory_space<semaphore_mem>>) src(%dma_wait3A_82 : memref<253952x128xi32, #tpu.memory_space<hbm>>) dst(%dma_wait3A_76 : memref<128x128xi32, #tpu.memory_space<vmem>>)
    %add3A_83 = arith.constant 0 : i32
    %add3A_84 = arith.addi %mul3A_2, %add3A_83 : i32
    "tpu.region"() ({
      %run_scoped3A = tpu.sem_alloc : memref<!tpu.dma_semaphore, #tpu.memory_space<semaphore_mem>>
      %dma_start3A_167 = arith.constant 0 : i32
      %dma_start3A_168 = tpu.memref_slice %arg4[%add3A_84, %dma_start3A_167] : memref<32768x128xi32, #tpu.memory_space<hbm>> -> memref<512x128xi32, #tpu.memory_space<hbm>>
      %dma_start3A_169 = arith.constant 0 : i32
      %dma_start3A_170 = tpu.memref_slice %arg4[%add3A_84, %dma_start3A_169] : memref<32768x128xi32, #tpu.memory_space<hbm>> -> memref<512x128xi32, #tpu.memory_space<hbm>>
      tpu.enqueue_dma source(%arg6 : memref<512x128xi32, #tpu.memory_space<vmem>>) target(%dma_start3A_170 : memref<512x128xi32, #tpu.memory_space<hbm>>) target_semaphore(%run_scoped3A : memref<!tpu.dma_semaphore, #tpu.memory_space<semaphore_mem>>)
      %dma_wait3A_171 = arith.constant 0 : i32
      %dma_wait3A_172 = tpu.memref_slice %arg4[%add3A_84, %dma_wait3A_171] : memref<32768x128xi32, #tpu.memory_space<hbm>> -> memref<512x128xi32, #tpu.memory_space<hbm>>
      %dma_wait3A_173 = arith.constant 0 : i32
      %dma_wait3A_174 = tpu.memref_slice %arg4[%add3A_84, %dma_wait3A_173] : memref<32768x128xi32, #tpu.memory_space<hbm>> -> memref<512x128xi32, #tpu.memory_space<hbm>>
      tpu.wait_dma2 semaphore(%run_scoped3A : memref<!tpu.dma_semaphore, #tpu.memory_space<semaphore_mem>>) src(%arg6 : memref<512x128xi32, #tpu.memory_space<vmem>>) dst(%dma_wait3A_174 : memref<512x128xi32, #tpu.memory_space<hbm>>)
      tpu.yield
    }) : () -> ()
    %dma_start3A_85 = arith.constant 4 : i32
    %dma_start3A_86 = arith.constant 0 : i32
    %dma_start3A_87 = arith.constant 0 : i32
    %dma_start3A_88 = tpu.memref_slice %arg6[%dma_start3A_86, %dma_start3A_87] : memref<512x128xi32, #tpu.memory_space<vmem>> -> memref<128x128xi32, #tpu.memory_space<vmem>>
    %dma_start3A_89 = arith.constant 0 : i32
    %dma_start3A_90 = tpu.memref_slice %arg5[%dma_start3A_85, %dma_start3A_89] : memref<8x128xi32, #tpu.memory_space<vmem>> -> memref<1x128xi32, #tpu.memory_space<vmem>>
    %dma_start3A_91 = tpu.memref_squeeze %dma_start3A_90 : memref<1x128xi32, #tpu.memory_space<vmem>> -> memref<128xi32, #tpu.memory_space<vmem>>
    %dma_start3A_92 = arith.constant 0 : i32
    %dma_start3A_93 = arith.constant 0 : i32
    %dma_start3A_94 = tpu.memref_slice %arg2[%dma_start3A_92, %dma_start3A_93] : memref<253952x128xi32, #tpu.memory_space<hbm>> -> memref<253952x128xi32, #tpu.memory_space<hbm>>
    tpu.enqueue_indirect_dma source(%dma_start3A_94 : memref<253952x128xi32, #tpu.memory_space<hbm>>) target(%dma_start3A_88 : memref<128x128xi32, #tpu.memory_space<vmem>>) offsets(%dma_start3A_91 : memref<128xi32, #tpu.memory_space<vmem>>) semaphore(%arg7 : memref<!tpu.dma_semaphore, #tpu.memory_space<semaphore_mem>>)
    %dma_start3A_95 = arith.constant 5 : i32
    %dma_start3A_96 = arith.constant 128 : i32
    %dma_start3A_97 = arith.constant 0 : i32
    %dma_start3A_98 = tpu.memref_slice %arg6[%dma_start3A_96, %dma_start3A_97] : memref<512x128xi32, #tpu.memory_space<vmem>> -> memref<128x128xi32, #tpu.memory_space<vmem>>
    %dma_start3A_99 = arith.constant 0 : i32
    %dma_start3A_100 = tpu.memref_slice %arg5[%dma_start3A_95, %dma_start3A_99] : memref<8x128xi32, #tpu.memory_space<vmem>> -> memref<1x128xi32, #tpu.memory_space<vmem>>
    %dma_start3A_101 = tpu.memref_squeeze %dma_start3A_100 : memref<1x128xi32, #tpu.memory_space<vmem>> -> memref<128xi32, #tpu.memory_space<vmem>>
    %dma_start3A_102 = arith.constant 0 : i32
    %dma_start3A_103 = arith.constant 0 : i32
    %dma_start3A_104 = tpu.memref_slice %arg2[%dma_start3A_102, %dma_start3A_103] : memref<253952x128xi32, #tpu.memory_space<hbm>> -> memref<253952x128xi32, #tpu.memory_space<hbm>>
    tpu.enqueue_indirect_dma source(%dma_start3A_104 : memref<253952x128xi32, #tpu.memory_space<hbm>>) target(%dma_start3A_98 : memref<128x128xi32, #tpu.memory_space<vmem>>) offsets(%dma_start3A_101 : memref<128xi32, #tpu.memory_space<vmem>>) semaphore(%arg7 : memref<!tpu.dma_semaphore, #tpu.memory_space<semaphore_mem>>)
    %dma_start3A_105 = arith.constant 6 : i32
    %dma_start3A_106 = arith.constant 256 : i32
    %dma_start3A_107 = arith.constant 0 : i32
    %dma_start3A_108 = tpu.memref_slice %arg6[%dma_start3A_106, %dma_start3A_107] : memref<512x128xi32, #tpu.memory_space<vmem>> -> memref<128x128xi32, #tpu.memory_space<vmem>>
    %dma_start3A_109 = arith.constant 0 : i32
    %dma_start3A_110 = tpu.memref_slice %arg5[%dma_start3A_105, %dma_start3A_109] : memref<8x128xi32, #tpu.memory_space<vmem>> -> memref<1x128xi32, #tpu.memory_space<vmem>>
    %dma_start3A_111 = tpu.memref_squeeze %dma_start3A_110 : memref<1x128xi32, #tpu.memory_space<vmem>> -> memref<128xi32, #tpu.memory_space<vmem>>
    %dma_start3A_112 = arith.constant 0 : i32
    %dma_start3A_113 = arith.constant 0 : i32
    %dma_start3A_114 = tpu.memref_slice %arg2[%dma_start3A_112, %dma_start3A_113] : memref<253952x128xi32, #tpu.memory_space<hbm>> -> memref<253952x128xi32, #tpu.memory_space<hbm>>
    tpu.enqueue_indirect_dma source(%dma_start3A_114 : memref<253952x128xi32, #tpu.memory_space<hbm>>) target(%dma_start3A_108 : memref<128x128xi32, #tpu.memory_space<vmem>>) offsets(%dma_start3A_111 : memref<128xi32, #tpu.memory_space<vmem>>) semaphore(%arg7 : memref<!tpu.dma_semaphore, #tpu.memory_space<semaphore_mem>>)
    %dma_start3A_115 = arith.constant 7 : i32
    %dma_start3A_116 = arith.constant 384 : i32
    %dma_start3A_117 = arith.constant 0 : i32
    %dma_start3A_118 = tpu.memref_slice %arg6[%dma_start3A_116, %dma_start3A_117] : memref<512x128xi32, #tpu.memory_space<vmem>> -> memref<128x128xi32, #tpu.memory_space<vmem>>
    %dma_start3A_119 = arith.constant 0 : i32
    %dma_start3A_120 = tpu.memref_slice %arg5[%dma_start3A_115, %dma_start3A_119] : memref<8x128xi32, #tpu.memory_space<vmem>> -> memref<1x128xi32, #tpu.memory_space<vmem>>
    %dma_start3A_121 = tpu.memref_squeeze %dma_start3A_120 : memref<1x128xi32, #tpu.memory_space<vmem>> -> memref<128xi32, #tpu.memory_space<vmem>>
    %dma_start3A_122 = arith.constant 0 : i32
    %dma_start3A_123 = arith.constant 0 : i32
    %dma_start3A_124 = tpu.memref_slice %arg2[%dma_start3A_122, %dma_start3A_123] : memref<253952x128xi32, #tpu.memory_space<hbm>> -> memref<253952x128xi32, #tpu.memory_space<hbm>>
    tpu.enqueue_indirect_dma source(%dma_start3A_124 : memref<253952x128xi32, #tpu.memory_space<hbm>>) target(%dma_start3A_118 : memref<128x128xi32, #tpu.memory_space<vmem>>) offsets(%dma_start3A_121 : memref<128xi32, #tpu.memory_space<vmem>>) semaphore(%arg7 : memref<!tpu.dma_semaphore, #tpu.memory_space<semaphore_mem>>)
    %dma_wait3A_125 = arith.constant 4 : i32
    %dma_wait3A_126 = arith.constant 0 : i32
    %dma_wait3A_127 = arith.constant 0 : i32
    %dma_wait3A_128 = tpu.memref_slice %arg6[%dma_wait3A_126, %dma_wait3A_127] : memref<512x128xi32, #tpu.memory_space<vmem>> -> memref<128x128xi32, #tpu.memory_space<vmem>>
    %dma_wait3A_129 = arith.constant 0 : i32
    %dma_wait3A_130 = tpu.memref_slice %arg5[%dma_wait3A_125, %dma_wait3A_129] : memref<8x128xi32, #tpu.memory_space<vmem>> -> memref<1x128xi32, #tpu.memory_space<vmem>>
    %dma_wait3A_131 = tpu.memref_squeeze %dma_wait3A_130 : memref<1x128xi32, #tpu.memory_space<vmem>> -> memref<128xi32, #tpu.memory_space<vmem>>
    %dma_wait3A_132 = arith.constant 0 : i32
    %dma_wait3A_133 = arith.constant 0 : i32
    %dma_wait3A_134 = tpu.memref_slice %arg2[%dma_wait3A_132, %dma_wait3A_133] : memref<253952x128xi32, #tpu.memory_space<hbm>> -> memref<253952x128xi32, #tpu.memory_space<hbm>>
    tpu.wait_indirect_dma semaphore(%arg7 : memref<!tpu.dma_semaphore, #tpu.memory_space<semaphore_mem>>) src(%dma_wait3A_134 : memref<253952x128xi32, #tpu.memory_space<hbm>>) dst(%dma_wait3A_128 : memref<128x128xi32, #tpu.memory_space<vmem>>)
    %dma_wait3A_135 = arith.constant 5 : i32
    %dma_wait3A_136 = arith.constant 128 : i32
    %dma_wait3A_137 = arith.constant 0 : i32
    %dma_wait3A_138 = tpu.memref_slice %arg6[%dma_wait3A_136, %dma_wait3A_137] : memref<512x128xi32, #tpu.memory_space<vmem>> -> memref<128x128xi32, #tpu.memory_space<vmem>>
    %dma_wait3A_139 = arith.constant 0 : i32
    %dma_wait3A_140 = tpu.memref_slice %arg5[%dma_wait3A_135, %dma_wait3A_139] : memref<8x128xi32, #tpu.memory_space<vmem>> -> memref<1x128xi32, #tpu.memory_space<vmem>>
    %dma_wait3A_141 = tpu.memref_squeeze %dma_wait3A_140 : memref<1x128xi32, #tpu.memory_space<vmem>> -> memref<128xi32, #tpu.memory_space<vmem>>
    %dma_wait3A_142 = arith.constant 0 : i32
    %dma_wait3A_143 = arith.constant 0 : i32
    %dma_wait3A_144 = tpu.memref_slice %arg2[%dma_wait3A_142, %dma_wait3A_143] : memref<253952x128xi32, #tpu.memory_space<hbm>> -> memref<253952x128xi32, #tpu.memory_space<hbm>>
    tpu.wait_indirect_dma semaphore(%arg7 : memref<!tpu.dma_semaphore, #tpu.memory_space<semaphore_mem>>) src(%dma_wait3A_144 : memref<253952x128xi32, #tpu.memory_space<hbm>>) dst(%dma_wait3A_138 : memref<128x128xi32, #tpu.memory_space<vmem>>)
    %dma_wait3A_145 = arith.constant 6 : i32
    %dma_wait3A_146 = arith.constant 256 : i32
    %dma_wait3A_147 = arith.constant 0 : i32
    %dma_wait3A_148 = tpu.memref_slice %arg6[%dma_wait3A_146, %dma_wait3A_147] : memref<512x128xi32, #tpu.memory_space<vmem>> -> memref<128x128xi32, #tpu.memory_space<vmem>>
    %dma_wait3A_149 = arith.constant 0 : i32
    %dma_wait3A_150 = tpu.memref_slice %arg5[%dma_wait3A_145, %dma_wait3A_149] : memref<8x128xi32, #tpu.memory_space<vmem>> -> memref<1x128xi32, #tpu.memory_space<vmem>>
    %dma_wait3A_151 = tpu.memref_squeeze %dma_wait3A_150 : memref<1x128xi32, #tpu.memory_space<vmem>> -> memref<128xi32, #tpu.memory_space<vmem>>
    %dma_wait3A_152 = arith.constant 0 : i32
    %dma_wait3A_153 = arith.constant 0 : i32
    %dma_wait3A_154 = tpu.memref_slice %arg2[%dma_wait3A_152, %dma_wait3A_153] : memref<253952x128xi32, #tpu.memory_space<hbm>> -> memref<253952x128xi32, #tpu.memory_space<hbm>>
    tpu.wait_indirect_dma semaphore(%arg7 : memref<!tpu.dma_semaphore, #tpu.memory_space<semaphore_mem>>) src(%dma_wait3A_154 : memref<253952x128xi32, #tpu.memory_space<hbm>>) dst(%dma_wait3A_148 : memref<128x128xi32, #tpu.memory_space<vmem>>)
    %dma_wait3A_155 = arith.constant 7 : i32
    %dma_wait3A_156 = arith.constant 384 : i32
    %dma_wait3A_157 = arith.constant 0 : i32
    %dma_wait3A_158 = tpu.memref_slice %arg6[%dma_wait3A_156, %dma_wait3A_157] : memref<512x128xi32, #tpu.memory_space<vmem>> -> memref<128x128xi32, #tpu.memory_space<vmem>>
    %dma_wait3A_159 = arith.constant 0 : i32
    %dma_wait3A_160 = tpu.memref_slice %arg5[%dma_wait3A_155, %dma_wait3A_159] : memref<8x128xi32, #tpu.memory_space<vmem>> -> memref<1x128xi32, #tpu.memory_space<vmem>>
    %dma_wait3A_161 = tpu.memref_squeeze %dma_wait3A_160 : memref<1x128xi32, #tpu.memory_space<vmem>> -> memref<128xi32, #tpu.memory_space<vmem>>
    %dma_wait3A_162 = arith.constant 0 : i32
    %dma_wait3A_163 = arith.constant 0 : i32
    %dma_wait3A_164 = tpu.memref_slice %arg2[%dma_wait3A_162, %dma_wait3A_163] : memref<253952x128xi32, #tpu.memory_space<hbm>> -> memref<253952x128xi32, #tpu.memory_space<hbm>>
    tpu.wait_indirect_dma semaphore(%arg7 : memref<!tpu.dma_semaphore, #tpu.memory_space<semaphore_mem>>) src(%dma_wait3A_164 : memref<253952x128xi32, #tpu.memory_space<hbm>>) dst(%dma_wait3A_158 : memref<128x128xi32, #tpu.memory_space<vmem>>)
    %add3A_165 = arith.constant 512 : i32
    %add3A_166 = arith.addi %mul3A_2, %add3A_165 : i32
    "tpu.region"() ({
      %run_scoped3A = tpu.sem_alloc : memref<!tpu.dma_semaphore, #tpu.memory_space<semaphore_mem>>
      %dma_start3A_167 = arith.constant 0 : i32
      %dma_start3A_168 = tpu.memref_slice %arg4[%add3A_166, %dma_start3A_167] : memref<32768x128xi32, #tpu.memory_space<hbm>> -> memref<512x128xi32, #tpu.memory_space<hbm>>
      %dma_start3A_169 = arith.constant 0 : i32
      %dma_start3A_170 = tpu.memref_slice %arg4[%add3A_166, %dma_start3A_169] : memref<32768x128xi32, #tpu.memory_space<hbm>> -> memref<512x128xi32, #tpu.memory_space<hbm>>
      tpu.enqueue_dma source(%arg6 : memref<512x128xi32, #tpu.memory_space<vmem>>) target(%dma_start3A_170 : memref<512x128xi32, #tpu.memory_space<hbm>>) target_semaphore(%run_scoped3A : memref<!tpu.dma_semaphore, #tpu.memory_space<semaphore_mem>>)
      %dma_wait3A_171 = arith.constant 0 : i32
      %dma_wait3A_172 = tpu.memref_slice %arg4[%add3A_166, %dma_wait3A_171] : memref<32768x128xi32, #tpu.memory_space<hbm>> -> memref<512x128xi32, #tpu.memory_space<hbm>>
      %dma_wait3A_173 = arith.constant 0 : i32
      %dma_wait3A_174 = tpu.memref_slice %arg4[%add3A_166, %dma_wait3A_173] : memref<32768x128xi32, #tpu.memory_space<hbm>> -> memref<512x128xi32, #tpu.memory_space<hbm>>
      tpu.wait_dma2 semaphore(%run_scoped3A : memref<!tpu.dma_semaphore, #tpu.memory_space<semaphore_mem>>) src(%arg6 : memref<512x128xi32, #tpu.memory_space<vmem>>) dst(%dma_wait3A_174 : memref<512x128xi32, #tpu.memory_space<hbm>>)
      tpu.yield
    }) : () -> ()
    return
  }
}

module attributes {stable_mosaic.version = 14 : i64} {
  func.func @_repack_body(%arg0: i32, %arg1: memref<64x8192xf32, #tpu.memory_space<vmem>>, %arg2: memref<64x8192xf32, #tpu.memory_space<vmem>>, %arg3: memref<64x8192xf32, #tpu.memory_space<vmem>>, %arg4: memref<64x8192xf32, #tpu.memory_space<vmem>>, %arg5: memref<8192x128xi32, #tpu.memory_space<vmem>>) attributes {dimension_semantics = [#tpu.dimension_semantics<arbitrary>], iteration_bounds = array<i64: 31>, scalar_prefetch = 0 : i64, scratch_operands = 0 : i64, tpu.core_type = #tpu.core_type<tc>, window_params = [{transform_indices = @transform_0, window_bounds = array<i64: 64, 8192>}, {transform_indices = @transform_1, window_bounds = array<i64: 64, 8192>}, {transform_indices = @transform_2, window_bounds = array<i64: 64, 8192>}, {transform_indices = @transform_3, window_bounds = array<i64: 64, 8192>}, {transform_indices = @transform_4, window_bounds = array<i64: 8192, 128>}]} {
    %get3A = arith.constant 0 : index
    %get3A_0 = arith.constant 0 : index
    %get3A_1 = vector.load %arg1[%get3A, %get3A_0] : memref<64x8192xf32, #tpu.memory_space<vmem>>, vector<64x8192xf32>
    %get3A_2 = arith.constant 0 : index
    %get3A_3 = arith.constant 0 : index
    %get3A_4 = vector.load %arg2[%get3A_2, %get3A_3] : memref<64x8192xf32, #tpu.memory_space<vmem>>, vector<64x8192xf32>
    %convert_element_type3A = arith.truncf %get3A_1 : vector<64x8192xf32> to vector<64x8192xbf16>
    %bitcast_convert_type3A = tpu.bitcast %convert_element_type3A : vector<64x8192xbf16> -> vector<64x8192xi16>
    %convert_element_type3A_5 = arith.extui %bitcast_convert_type3A : vector<64x8192xi16> to vector<64x8192xi32>
    %convert_element_type3A_6 = arith.truncf %get3A_4 : vector<64x8192xf32> to vector<64x8192xbf16>
    %bitcast_convert_type3A_7 = tpu.bitcast %convert_element_type3A_6 : vector<64x8192xbf16> -> vector<64x8192xi16>
    %convert_element_type3A_8 = arith.extui %bitcast_convert_type3A_7 : vector<64x8192xi16> to vector<64x8192xi32>
    %shift_left3A = arith.constant 16 : i32
    %shift_left3A_9 = vector.broadcast %shift_left3A : i32 to vector<64x8192xi32>
    %shift_left3A_10 = arith.shli %convert_element_type3A_8, %shift_left3A_9 : vector<64x8192xi32>
    %or3A = arith.ori %convert_element_type3A_5, %shift_left3A_10 : vector<64x8192xi32>
    %get3A_11 = arith.constant 0 : index
    %get3A_12 = arith.constant 0 : index
    %get3A_13 = vector.load %arg3[%get3A_11, %get3A_12] : memref<64x8192xf32, #tpu.memory_space<vmem>>, vector<64x8192xf32>
    %get3A_14 = arith.constant 0 : index
    %get3A_15 = arith.constant 0 : index
    %get3A_16 = vector.load %arg4[%get3A_14, %get3A_15] : memref<64x8192xf32, #tpu.memory_space<vmem>>, vector<64x8192xf32>
    %convert_element_type3A_17 = arith.truncf %get3A_13 : vector<64x8192xf32> to vector<64x8192xbf16>
    %bitcast_convert_type3A_18 = tpu.bitcast %convert_element_type3A_17 : vector<64x8192xbf16> -> vector<64x8192xi16>
    %convert_element_type3A_19 = arith.extui %bitcast_convert_type3A_18 : vector<64x8192xi16> to vector<64x8192xi32>
    %convert_element_type3A_20 = arith.truncf %get3A_16 : vector<64x8192xf32> to vector<64x8192xbf16>
    %bitcast_convert_type3A_21 = tpu.bitcast %convert_element_type3A_20 : vector<64x8192xbf16> -> vector<64x8192xi16>
    %convert_element_type3A_22 = arith.extui %bitcast_convert_type3A_21 : vector<64x8192xi16> to vector<64x8192xi32>
    %shift_left3A_23 = arith.constant 16 : i32
    %shift_left3A_24 = vector.broadcast %shift_left3A_23 : i32 to vector<64x8192xi32>
    %shift_left3A_25 = arith.shli %convert_element_type3A_22, %shift_left3A_24 : vector<64x8192xi32>
    %or3A_26 = arith.ori %convert_element_type3A_19, %shift_left3A_25 : vector<64x8192xi32>
    %transpose3A = tpu.transpose %or3A, [1, 0] : vector<64x8192xi32> -> vector<8192x64xi32>
    %transpose3A_27 = tpu.transpose %or3A_26, [1, 0] : vector<64x8192xi32> -> vector<8192x64xi32>
    %concatenate3A = tpu.concatenate %transpose3A, %transpose3A_27 in 1 : vector<8192x64xi32>, vector<8192x64xi32> -> vector<8192x128xi32>
    %bitcast_convert_type3A_28 = tpu.bitcast %concatenate3A : vector<8192x128xi32> -> vector<8192x128xi32>
    %swap3A = arith.constant 0 : index
    %swap3A_29 = arith.constant 0 : index
    %swap3A_30 = vector.load %arg5[%swap3A, %swap3A_29] : memref<8192x128xi32, #tpu.memory_space<vmem>>, vector<8192x128xi32>
    tpu.vector_store %arg5[%swap3A, %swap3A_29], %bitcast_convert_type3A_28 {strides = array<i32>} : memref<8192x128xi32, #tpu.memory_space<vmem>>, vector<8192x128xi32>,
    return
  }
  func.func @transform_0(%arg0: i32) -> (i32, i32) {
    %c0_i32 = arith.constant 0 : i32
    %c0_i32_0 = arith.constant 0 : i32
    return %c0_i32, %arg0 : i32, i32
  }
  func.func @transform_1(%arg0: i32) -> (i32, i32) {
    %add3A = arith.constant 31 : i32
    %add3A_0 = arith.addi %arg0, %add3A : i32
    %c0_i32 = arith.constant 0 : i32
    %c0_i32_1 = arith.constant 0 : i32
    return %c0_i32, %add3A_0 : i32, i32
  }
  func.func @transform_2(%arg0: i32) -> (i32, i32) {
    %add3A = arith.constant 62 : i32
    %add3A_0 = arith.addi %arg0, %add3A : i32
    %c0_i32 = arith.constant 0 : i32
    %c0_i32_1 = arith.constant 0 : i32
    return %c0_i32, %add3A_0 : i32, i32
  }
  func.func @transform_3(%arg0: i32) -> (i32, i32) {
    %add3A = arith.constant 93 : i32
    %add3A_0 = arith.addi %arg0, %add3A : i32
    %min3A = arith.constant 122 : i32
    %min3A_1 = arith.minsi %add3A_0, %min3A : i32
    %c0_i32 = arith.constant 0 : i32
    %c0_i32_2 = arith.constant 0 : i32
    return %c0_i32, %min3A_1 : i32, i32
  }
  func.func @transform_4(%arg0: i32) -> (i32, i32) {
    %c0_i32 = arith.constant 0 : i32
    %c0_i32_0 = arith.constant 0 : i32
    return %arg0, %c0_i32 : i32, i32
  }
}

module attributes {stable_mosaic.version = 14 : i64} {
  func.func @_mlp_body(%arg0: i32, %arg1: memref<4096x128xi32, #tpu.memory_space<vmem>>, %arg2: memref<4096x128xi32, #tpu.memory_space<vmem>>, %arg3: memref<4096x1xi32, #tpu.memory_space<vmem>>, %arg4: memref<4096x1xi32, #tpu.memory_space<vmem>>, %arg5: memref<128x64xf32, #tpu.memory_space<vmem>>, %arg6: memref<1x64xf32, #tpu.memory_space<vmem>>, %arg7: memref<1x64xf32, #tpu.memory_space<vmem>>, %arg8: memref<1x1xf32, #tpu.memory_space<vmem>>, %arg9: memref<4096x1xf32, #tpu.memory_space<vmem>>) attributes {dimension_semantics = [#tpu.dimension_semantics<arbitrary>], iteration_bounds = array<i64: 4>, scalar_prefetch = 0 : i64, scratch_operands = 0 : i64, tpu.core_type = #tpu.core_type<tc>, window_params = [{transform_indices = @transform_0, window_bounds = array<i64: 4096, 128>}, {transform_indices = @transform_1, window_bounds = array<i64: 4096, 128>}, {transform_indices = @transform_2, window_bounds = array<i64: 4096, 1>}, {transform_indices = @transform_3, window_bounds = array<i64: 4096, 1>}, {pipeline_mode = #tpu.pipeline_mode<synchronous>, transform_indices = @transform_4, window_bounds = array<i64: 128, 64>}, {pipeline_mode = #tpu.pipeline_mode<synchronous>, transform_indices = @transform_5, window_bounds = array<i64: 1, 64>}, {pipeline_mode = #tpu.pipeline_mode<synchronous>, transform_indices = @transform_6, window_bounds = array<i64: 1, 64>}, {pipeline_mode = #tpu.pipeline_mode<synchronous>, transform_indices = @transform_7, window_bounds = array<i64: 1, 1>}, {transform_indices = @transform_8, window_bounds = array<i64: 4096, 1>}]} {
    %get3A = arith.constant 0 : index
    %get3A_0 = arith.constant 0 : index
    %get3A_1 = vector.load %arg5[%get3A, %get3A_0] : memref<128x64xf32, #tpu.memory_space<vmem>>, vector<128x64xf32>
    %get3A_2 = arith.constant 0 : index
    %get3A_3 = arith.constant 0 : index
    %get3A_4 = vector.load %arg1[%get3A_2, %get3A_3] : memref<4096x128xi32, #tpu.memory_space<vmem>>, vector<4096x128xi32>
    %get3A_5 = arith.constant 0 : index
    %get3A_6 = arith.constant 0 : index
    %get3A_7 = vector.load %arg3[%get3A_5, %get3A_6] : memref<4096x1xi32, #tpu.memory_space<vmem>>, vector<4096x1xi32>
    %bitcast_convert_type3A = tpu.bitcast %get3A_4 : vector<4096x128xi32> -> vector<4096x128xi32>
    %ge3A = arith.constant 2 : i32
    %ge3A_8 = vector.broadcast %ge3A : i32 to vector<4096x1xi32>
    %ge3A_9 = arith.cmpi sge, %get3A_7, %ge3A_8 : vector<4096x1xi32>
    %slice3A = vector.extract_strided_slice %bitcast_convert_type3A {offsets = [0, 64], sizes = [4096, 64], strides = [1, 1]} : vector<4096x128xi32> to vector<4096x64xi32>
    %slice3A_10 = vector.extract_strided_slice %bitcast_convert_type3A {offsets = [0, 0], sizes = [4096, 64], strides = [1, 1]} : vector<4096x128xi32> to vector<4096x64xi32>
    %broadcast_in_dim3A = vector.shape_cast %ge3A_9 : vector<4096x1xi1> to vector<4096x1xi1>
    %broadcast_in_dim3A_11 = vector.broadcast %broadcast_in_dim3A : vector<4096x1xi1> to vector<4096x64xi1>
    %select_n3A = arith.select %broadcast_in_dim3A_11, %slice3A, %slice3A_10 : vector<4096x64xi1>, vector<4096x64xi32>
    %shift_left3A = arith.constant 16 : i32
    %shift_left3A_12 = vector.broadcast %shift_left3A : i32 to vector<4096x64xi32>
    %shift_left3A_13 = arith.shli %select_n3A, %shift_left3A_12 : vector<4096x64xi32>
    %bitcast_convert_type3A_14 = tpu.bitcast %shift_left3A_13 : vector<4096x64xi32> -> vector<4096x64xf32>
    %and3A = arith.constant -65536 : i32
    %and3A_15 = vector.broadcast %and3A : i32 to vector<4096x64xi32>
    %and3A_16 = arith.andi %select_n3A, %and3A_15 : vector<4096x64xi32>
    %bitcast_convert_type3A_17 = tpu.bitcast %and3A_16 : vector<4096x64xi32> -> vector<4096x64xf32>
    %and3A_18 = arith.constant 1 : i32
    %and3A_19 = vector.broadcast %and3A_18 : i32 to vector<4096x1xi32>
    %and3A_20 = arith.andi %get3A_7, %and3A_19 : vector<4096x1xi32>
    %eq3A = arith.constant 1 : i32
    %eq3A_21 = vector.broadcast %eq3A : i32 to vector<4096x1xi32>
    %eq3A_22 = arith.cmpi eq, %and3A_20, %eq3A_21 : vector<4096x1xi32>
    %broadcast_in_dim3A_23 = vector.shape_cast %eq3A_22 : vector<4096x1xi1> to vector<4096x1xi1>
    %broadcast_in_dim3A_24 = vector.broadcast %broadcast_in_dim3A_23 : vector<4096x1xi1> to vector<4096x64xi1>
    %select_n3A_25 = arith.select %broadcast_in_dim3A_24, %bitcast_convert_type3A_17, %bitcast_convert_type3A_14 : vector<4096x64xi1>, vector<4096x64xf32>
    %get3A_26 = arith.constant 0 : index
    %get3A_27 = arith.constant 0 : index
    %get3A_28 = vector.load %arg2[%get3A_26, %get3A_27] : memref<4096x128xi32, #tpu.memory_space<vmem>>, vector<4096x128xi32>
    %get3A_29 = arith.constant 0 : index
    %get3A_30 = arith.constant 0 : index
    %get3A_31 = vector.load %arg4[%get3A_29, %get3A_30] : memref<4096x1xi32, #tpu.memory_space<vmem>>, vector<4096x1xi32>
    %bitcast_convert_type3A_32 = tpu.bitcast %get3A_28 : vector<4096x128xi32> -> vector<4096x128xi32>
    %ge3A_33 = arith.constant 2 : i32
    %ge3A_34 = vector.broadcast %ge3A_33 : i32 to vector<4096x1xi32>
    %ge3A_35 = arith.cmpi sge, %get3A_31, %ge3A_34 : vector<4096x1xi32>
    %slice3A_36 = vector.extract_strided_slice %bitcast_convert_type3A_32 {offsets = [0, 64], sizes = [4096, 64], strides = [1, 1]} : vector<4096x128xi32> to vector<4096x64xi32>
    %slice3A_37 = vector.extract_strided_slice %bitcast_convert_type3A_32 {offsets = [0, 0], sizes = [4096, 64], strides = [1, 1]} : vector<4096x128xi32> to vector<4096x64xi32>
    %broadcast_in_dim3A_38 = vector.shape_cast %ge3A_35 : vector<4096x1xi1> to vector<4096x1xi1>
    %broadcast_in_dim3A_39 = vector.broadcast %broadcast_in_dim3A_38 : vector<4096x1xi1> to vector<4096x64xi1>
    %select_n3A_40 = arith.select %broadcast_in_dim3A_39, %slice3A_36, %slice3A_37 : vector<4096x64xi1>, vector<4096x64xi32>
    %shift_left3A_41 = arith.constant 16 : i32
    %shift_left3A_42 = vector.broadcast %shift_left3A_41 : i32 to vector<4096x64xi32>
    %shift_left3A_43 = arith.shli %select_n3A_40, %shift_left3A_42 : vector<4096x64xi32>
    %bitcast_convert_type3A_44 = tpu.bitcast %shift_left3A_43 : vector<4096x64xi32> -> vector<4096x64xf32>
    %and3A_45 = arith.constant -65536 : i32
    %and3A_46 = vector.broadcast %and3A_45 : i32 to vector<4096x64xi32>
    %and3A_47 = arith.andi %select_n3A_40, %and3A_46 : vector<4096x64xi32>
    %bitcast_convert_type3A_48 = tpu.bitcast %and3A_47 : vector<4096x64xi32> -> vector<4096x64xf32>
    %and3A_49 = arith.constant 1 : i32
    %and3A_50 = vector.broadcast %and3A_49 : i32 to vector<4096x1xi32>
    %and3A_51 = arith.andi %get3A_31, %and3A_50 : vector<4096x1xi32>
    %eq3A_52 = arith.constant 1 : i32
    %eq3A_53 = vector.broadcast %eq3A_52 : i32 to vector<4096x1xi32>
    %eq3A_54 = arith.cmpi eq, %and3A_51, %eq3A_53 : vector<4096x1xi32>
    %broadcast_in_dim3A_55 = vector.shape_cast %eq3A_54 : vector<4096x1xi1> to vector<4096x1xi1>
    %broadcast_in_dim3A_56 = vector.broadcast %broadcast_in_dim3A_55 : vector<4096x1xi1> to vector<4096x64xi1>
    %select_n3A_57 = arith.select %broadcast_in_dim3A_56, %bitcast_convert_type3A_48, %bitcast_convert_type3A_44 : vector<4096x64xi1>, vector<4096x64xf32>
    %slice3A_58 = vector.extract_strided_slice %get3A_1 {offsets = [0, 0], sizes = [64, 64], strides = [1, 1]} : vector<128x64xf32> to vector<64x64xf32>
    %dot_general3A = arith.constant dense<0.000000e+00> : vector<4096x64xf32>
    %dot_general3A_59 = tpu.matmul %select_n3A_25, %slice3A_58, %dot_general3A {dimension_numbers = #tpu.dot_dimension_numbers<[1], [0], [0], [1], [0, 0, 1, 1], [], []>, transpose_lhs_hint = false} : vector<4096x64xf32>, vector<64x64xf32>, vector<4096x64xf32> -> vector<4096x64xf32>
    %slice3A_60 = vector.extract_strided_slice %get3A_1 {offsets = [64, 0], sizes = [64, 64], strides = [1, 1]} : vector<128x64xf32> to vector<64x64xf32>
    %dot_general3A_61 = arith.constant dense<0.000000e+00> : vector<4096x64xf32>
    %dot_general3A_62 = tpu.matmul %select_n3A_57, %slice3A_60, %dot_general3A_61 {dimension_numbers = #tpu.dot_dimension_numbers<[1], [0], [0], [1], [0, 0, 1, 1], [], []>, transpose_lhs_hint = false} : vector<4096x64xf32>, vector<64x64xf32>, vector<4096x64xf32> -> vector<4096x64xf32>
    %add3A = arith.addf %dot_general3A_59, %dot_general3A_62 : vector<4096x64xf32>
    %get3A_63 = arith.constant 0 : index
    %get3A_64 = arith.constant 0 : index
    %get3A_65 = vector.load %arg6[%get3A_63, %get3A_64] : memref<1x64xf32, #tpu.memory_space<vmem>>, vector<1x64xf32>
    %add3A_66 = vector.broadcast %get3A_65 : vector<1x64xf32> to vector<4096x64xf32>
    %add3A_67 = arith.addf %add3A, %add3A_66 : vector<4096x64xf32>
    %max3A = arith.constant 0.000000e+00 : f32
    %max3A_68 = vector.broadcast %max3A : f32 to vector<4096x64xf32>
    %max3A_69 = arith.maximumf %add3A_67, %max3A_68 : vector<4096x64xf32>
    %get3A_70 = arith.constant 0 : index
    %get3A_71 = arith.constant 0 : index
    %get3A_72 = vector.load %arg7[%get3A_70, %get3A_71] : memref<1x64xf32, #tpu.memory_space<vmem>>, vector<1x64xf32>
    %mul3A = vector.broadcast %get3A_72 : vector<1x64xf32> to vector<4096x64xf32>
    %mul3A_73 = arith.mulf %max3A_69, %mul3A : vector<4096x64xf32>
    %reduce_sum3A = arith.constant dense<0.000000e+00> : vector<4096xf32>
    %reduce_sum3A_74 = vector.multi_reduction <add>, %mul3A_73, %reduce_sum3A [1] : vector<4096x64xf32> to vector<4096xf32>
    %broadcast_in_dim3A_75 = vector.shape_cast %reduce_sum3A_74 : vector<4096xf32> to vector<4096x1xf32>
    %get3A_76 = arith.constant 0 : index
    %get3A_77 = arith.constant 0 : index
    %get3A_78 = vector.load %arg8[%get3A_76, %get3A_77] : memref<1x1xf32, #tpu.memory_space<vmem>>, vector<1x1xf32>
    %add3A_79 = vector.broadcast %get3A_78 : vector<1x1xf32> to vector<4096x1xf32>
    %add3A_80 = arith.addf %broadcast_in_dim3A_75, %add3A_79 : vector<4096x1xf32>
    %swap3A = arith.constant 0 : index
    %swap3A_81 = arith.constant 0 : index
    %swap3A_82 = vector.load %arg9[%swap3A, %swap3A_81] : memref<4096x1xf32, #tpu.memory_space<vmem>>, vector<4096x1xf32>
    tpu.vector_store %arg9[%swap3A, %swap3A_81], %add3A_80 {strides = array<i32>} : memref<4096x1xf32, #tpu.memory_space<vmem>>, vector<4096x1xf32>,
    return
  }
  func.func @transform_0(%arg0: i32) -> (i32, i32) {
    %c0_i32 = arith.constant 0 : i32
    %c0_i32_0 = arith.constant 0 : i32
    return %arg0, %c0_i32 : i32, i32
  }
  func.func @transform_1(%arg0: i32) -> (i32, i32) {
    %add3A = arith.constant 4 : i32
    %add3A_0 = arith.addi %arg0, %add3A : i32
    %c0_i32 = arith.constant 0 : i32
    %c0_i32_1 = arith.constant 0 : i32
    return %add3A_0, %c0_i32 : i32, i32
  }
  func.func @transform_2(%arg0: i32) -> (i32, i32) {
    %c0_i32 = arith.constant 0 : i32
    %c0_i32_0 = arith.constant 0 : i32
    return %arg0, %c0_i32 : i32, i32
  }
  func.func @transform_3(%arg0: i32) -> (i32, i32) {
    %add3A = arith.constant 4 : i32
    %add3A_0 = arith.addi %arg0, %add3A : i32
    %c0_i32 = arith.constant 0 : i32
    %c0_i32_1 = arith.constant 0 : i32
    return %add3A_0, %c0_i32 : i32, i32
  }
  func.func @transform_4(%arg0: i32) -> (i32, i32) {
    %c0_i32 = arith.constant 0 : i32
    %c0_i32_0 = arith.constant 0 : i32
    %c0_i32_1 = arith.constant 0 : i32
    return %c0_i32, %c0_i32_0 : i32, i32
  }
  func.func @transform_5(%arg0: i32) -> (i32, i32) {
    %c0_i32 = arith.constant 0 : i32
    %c0_i32_0 = arith.constant 0 : i32
    %c0_i32_1 = arith.constant 0 : i32
    return %c0_i32, %c0_i32_0 : i32, i32
  }
  func.func @transform_6(%arg0: i32) -> (i32, i32) {
    %c0_i32 = arith.constant 0 : i32
    %c0_i32_0 = arith.constant 0 : i32
    %c0_i32_1 = arith.constant 0 : i32
    return %c0_i32, %c0_i32_0 : i32, i32
  }
  func.func @transform_7(%arg0: i32) -> (i32, i32) {
    %c0_i32 = arith.constant 0 : i32
    %c0_i32_0 = arith.constant 0 : i32
    %c0_i32_1 = arith.constant 0 : i32
    return %c0_i32, %c0_i32_0 : i32, i32
  }
  func.func @transform_8(%arg0: i32) -> (i32, i32) {
    %c0_i32 = arith.constant 0 : i32
    %c0_i32_0 = arith.constant 0 : i32
    return %arg0, %c0_i32 : i32, i32
  }
}

</mosaic_0001>

<sc_bundles>
// kernel: kernel.5.cloned.1.call-start
scs
__scs_entry_jumppad:
0x0: {  	(pc) =	sbr.rel $0x88, $3  }
0x1: {  	(tag) =	ssettag $0x0;
	lr =	simm.s32 $0x1  }
0x2: {  	[smem:$0x3F9A] =	sst lr;
	_ =	strace $0xD0000000  }
0x3: {  	_ = 	snop  }
0x4: {  	_ = 	snop  }
0x5: {  	_ = 	snop  }
0x6: {  	_ = 	snop  }
0x7: {  	_ = 	snop  }
__scs_overlays_trampoline_lowered:
0x8: {  	[smem:$0x3FA9] =	sst s0  }
0x9: {  	[smem:$0x3FAA] =	sst s1  }
0xa: {  	[smem:$0x3FAB] =	sst s2  }
0xb: {  	[smem:$0x3FAC] =	sst s3  }
0xc: {  	[smem:$0x3FAD] =	sst s4  }
0xd: {  	[smem:$0x3FAE] =	sst s5  }
0xe: {  	[smem:$0x3FAF] =	sst s6  }
0xf: {  	[smem:$0x3FB0] =	sst s7  }
0x10: {  	[smem:$0x3FB1] =	sst s8  }
0x11: {  	[smem:$0x3FB2] =	sst s9;
	s0 =	simm.s32 @!p0 $0x0  }
0x12: {  	s1 =	sld [smem:$0x3F98];
	s0 =	simm.s32 @p0 $0x1  }
0x13: {  	[smem:$0x3FB3] =	sst s0;
	s0 =	simm.s32 @!p1 $0x0  }
0x14: {  	s2 =	sld [smem:$0x3F97];
	s0 =	simm.s32 @p1 $0x1  }
0x15: {  	[smem:$0x3FB4] =	sst s0;
	s0 =	simm.s32 @!p2 $0x0  }
0x16: {  	s3 =	sld [smem:$0x3FDB];
	s0 =	simm.s32 @p2 $0x1  }
0x17: {  	s4 =	simm.s32 $0x1BF5;
	[smem:$0x3FB6] =	sst s0  }
0x18: {  	s0 =	sld [smem:$0x3F99];
	_ =	swait.ge [sflag:s4], $0x0  }
0x19: {  	s7 =	sld [smem:$0x3F9A]  }
0x1a: {  	s8 =	sadd.s32 $0xFFFFE003, lr  }
0x1b: {  	s9 =	sadd.s32 $0xFFFFFEF7, lr;
	s5 =	simm.s32 $0xFFFFFFFF;
	p2 =	slt.u32 s8, $0xFFFFF086  }
0x1c: {  	p1 =	slt.u32 s9, $0xF7A;
	s5 =	simm.s32 @!p2 $0x0  }
0x1d: {  	s5 =	simm.s32 @p1 $0x1;
	p0 =	seq.s32 s7, s2  }
0x1e: {  	s7 =	smul.u32 @!p0 $0xF7A, s2;
	p2 =	seq.s32 @!p0 s5, $0x0  }
0x1f: {  	s9 =	smul.u32 $0xF7A, s1;
	s8 =	simm.s32 @!p0 $0x1BF5;
	p2 =	por !p2, p0  }
0x20: {  	[sflag:s8] =	ssyncset.s32 @!p0 $0xFFFFF086;
	s6 =	sadd.s32 @!p0 s3, s7;
	s7 =	simm.s32 @!p0 $0x108  }
0x21: {  	s3 =	sadd.s32 s3, s9;
	s6 =	sadd.s32 @!p0 $0x88, s6;
	s7 =	simm.s32 @p2 $0x1082  }
0x22: {  	[simem:s7], [sflag:s8] =	dma.local @!p0 [hbm:s6], $0xF7A  }
0x23: {  	s9 =	sor.u32 $0xD0000000, s2;
	s6 =	simm.s32 $0x108;
	_ =	swait.ge @!p0 [sflag:s8], $0x0  }
0x24: {  	s3 =	sadd.s32 $0x88, s3;
	s6 =	simm.s32 @!p1 $0x1082;
	[sflag:s4] =	ssyncset.s32 $0xFFFFF086  }
0x25: {  	[simem:s6], [sflag:s4] =	dma.local [hbm:s3], $0xF7A  }
0x26: {  	[smem:$0x3F9A] =	sst s1;
	(tag) =	ssettag s2;
	_ =	strace s9  }
0x27: {  	s1 =	sld [smem:$0x3FAA]  }
0x28: {  	s2 =	sld [smem:$0x3FAB]  }
0x29: {  	s4 =	sld [smem:$0x3FAD]  }
0x2a: {  	p0 =	seq.s32 s5, $0x0;
	s5 =	sld [smem:$0x3FAE]  }
0x2b: {  	s6 =	sld [smem:$0x3FAF]  }
0x2c: {  	s7 =	sld [smem:$0x3FB0]  }
0x2d: {  	s3 =	simm.s32 $0x108;
	s8 =	sld [smem:$0x3FB1]  }
0x2e: {  	s3 =	simm.s32 @!p0 $0x1082;
	s9 =	sld [smem:$0x3FB2]  }
0x2f: {  	lr =	sadd.s32 s0, s3;
	s0 =	sld [smem:$0x3FA9]  }
0x30: {  	s3 =	sld [smem:$0x3FAC]  }
0x31: {  	[smem:$0x3FB5] =	sst s10  }
0x32: {  	s10 =	sld [smem:$0x3FB3];
	_ =	sdelay $0x3  }
0x33: {  	p0 =	seq.s32 s10, $0x1;
	s10 =	sld [smem:$0x3FB5];
	_ =	sdelay $0x3  }
0x34: {  	[smem:$0x3FB5] =	sst s10  }
0x35: {  	s10 =	sld [smem:$0x3FB4];
	_ =	sdelay $0x3  }
0x36: {  	p1 =	seq.s32 s10, $0x1;
	s10 =	sld [smem:$0x3FB5];
	_ =	sdelay $0x3  }
0x37: {  	[smem:$0x3FB5] =	sst s10  }
0x38: {  	s10 =	sld [smem:$0x3FB6]  }
0x39: {  	_ = 	snop;
	(pc) =	sbr.ind lr, $3  }
0x3a: {  	_ = 	snop  }
0x3b: {  	_ = 	snop  }
0x3c: {  	p2 =	seq.s32 s10, $0x1;
	s10 =	sld [smem:$0x3FB5]  }
0x3d: {  	_ =	shalt  }
0x3e: {  	_ =	shalt  }
0x3f: {  	_ =	shalt  }
0x40: {  	_ =	shalt  }
0x41: {  	_ =	shalt  }
0x42: {  	_ =	shalt  }
0x43: {  	_ =	shalt  }
0x44: {  	_ =	shalt  }
0x45: {  	_ =	shalt  }
0x46: {  	_ =	shalt  }
0x47: {  	_ =	shalt  }
0x48: {  	_ =	shalt  }
0x49: {  	_ =	shalt  }
0x4a: {  	_ =	shalt  }
0x4b: {  	_ =	shalt  }
0x4c: {  	_ =	shalt  }
0x4d: {  	_ =	shalt  }
0x4e: {  	_ =	shalt  }
0x4f: {  	_ =	shalt  }
0x50: {  	_ =	shalt  }
0x51: {  	_ =	shalt  }
0x52: {  	_ =	shalt  }
0x53: {  	_ =	shalt  }
0x54: {  	_ =	shalt  }
0x55: {  	_ =	shalt  }
0x56: {  	_ =	shalt  }
0x57: {  	_ =	shalt  }
0x58: {  	_ =	shalt  }
0x59: {  	_ =	shalt  }
0x5a: {  	_ =	shalt  }
0x5b: {  	_ =	shalt  }
0x5c: {  	_ =	shalt  }
0x5d: {  	_ =	shalt  }
0x5e: {  	_ =	shalt  }
0x5f: {  	_ =	shalt  }
0x60: {  	_ =	shalt  }
0x61: {  	_ =	shalt  }
0x62: {  	_ =	shalt  }
0x63: {  	_ =	shalt  }
0x64: {  	_ =	shalt  }
0x65: {  	_ =	shalt  }
0x66: {  	_ =	shalt  }
0x67: {  	_ =	shalt  }
0x68: {  	_ =	shalt  }
0x69: {  	_ =	shalt  }
0x6a: {  	_ =	shalt  }
0x6b: {  	_ =	shalt  }
0x6c: {  	_ =	shalt  }
0x6d: {  	_ =	shalt  }
0x6e: {  	_ =	shalt  }
0x6f: {  	_ =	shalt  }
0x70: {  	_ =	shalt  }
0x71: {  	_ =	shalt  }
0x72: {  	_ =	shalt  }
0x73: {  	_ =	shalt  }
0x74: {  	_ =	shalt  }
0x75: {  	_ =	shalt  }
0x76: {  	_ =	shalt  }
0x77: {  	_ =	shalt  }
0x78: {  	_ =	shalt  }
0x79: {  	_ =	shalt  }
0x7a: {  	_ =	shalt  }
0x7b: {  	_ =	shalt  }
0x7c: {  	_ =	shalt  }
0x7d: {  	_ =	shalt  }
0x7e: {  	_ =	shalt  }
0x7f: {  	_ =	shalt  }
0x80: {  	_ =	shalt  }
0x81: {  	_ =	shalt  }
0x82: {  	_ =	shalt  }
0x83: {  	_ =	shalt  }
0x84: {  	_ =	shalt  }
0x85: {  	_ =	shalt  }
0x86: {  	_ =	shalt  }
0x87: {  	_ =	shalt  }
.Lfunc_end0:
.L_simem_size_0:
called_computation_lowered:
.L_overlay_start_0:
0x88: {  	s2 =	sld [smem:$0x3FD9]  }
0x89: {  	s3 =	sld [smem:$0x3FFE];
	_ =	sdelay $0x1  }
0x8a: {  	s1 =	srdreg.scid  }
0x8b: {  	s0 =	sand.u32 $0x1, s1  }
0x8c: {  	s16 =	sshll.u32 s0, $0xA;
	s2 =	sadd.s32 s3, s2  }
0x8d: {  	s2 =	sadd.s32 s2, s16  }
0x8e: {  	[smem:$0x3FC1] =	sst s2  }
0x8f: {  	_ = 	snop  }
0x90: {  	(tm) =	ssettm $0x1  }
0x91: {  	s17 =	sld [smem:$0x3FFB];
	_ =	sdelay $0x3  }
0x92: {  	_ =	strace s17  }
0x93: {  	s2 =	sld [smem:$0x3FFC];
	_ =	sdelay $0x3  }
0x94: {  	_ =	strace s2  }
0x95: {  	s2 =	sld [smem:$0x3FFD];
	_ =	sdelay $0x3  }
0x96: {  	_ =	strace s2  }
0x97: {  	_ =	strace $0x8FFFFFFF  }
0x98: {  	s18 =	sld [smem:$0x3FDB];
	_ =	sdelay $0x1  }
0x99: {  	s19 =	simm.s32 $_scs_section_size  }
0x9a: {  	s4 =	simm.s32 $_size__tile_overlayer_lowered;
	s5 =	simm.s32 $_tile_overlayer_lowered  }
0x9b: {  	s22 =	simm.s32 $0x1BFF;
	s21 =	sshll.u32 s5, $0x1;
	s2 =	sadd.s32 s19, s18  }
0x9c: {  	s6 =	simm.s32 $0x0;
	s20 =	sshll.u32 s4, $0x1;
	s4 =	sadd.s32 s21, s2  }
0x9d: {  	[timem:s6], [sflag:s22] =	dma.local [hbm:s4], s20  }
0x9e: {  	_ =	swait.ge [sflag:s22], s20  }
0x9f: {  	s3 =	ssub.s32 $0x0, s20;
	[sflag:s22] =	ssyncset.done $0x0  }
0xa0: {  	[sflag:s22] =	ssyncadd.s32 s3;
	_ =	sdelay $0x1  }
0xa1: {  	s23 =	simm.s32 $0x1B8B  }
0xa2: {  	_ =	swait.ge [sflag:s23], $0x1  }
0xa3: {  	[sflag:s23] =	ssyncset.done $0x0  }
0xa4: {  	s25 =	simm.s32 $0x1B8E;
	s24 =	sld [smem:$0x3FFE];
	[sflag:s23] =	ssyncadd.s32 $0xFFFFFFFF  }
0xa5: {  	s26 =	simm.s32 $execute0_lowered;
	[smem:$0x3FD2] =	sst s25  }
0xa6: {  	s4 =	sshll.u32 s26, $0x1;
	_ =	strace $0x80000046;
	[dreg:$0x1] =	wrdreg $0xFFFFFFFF  }
0xa7: {  	s28 =	simm.s32 $_size_execute0_lowered;
	s2 =	sadd.s32 s2, s4;
	[dreg:$0x0] =	wrdreg $0x0  }
0xa8: {  	s4 =	sshll.u32 s28, $0x1;
	[dreg:$0x2] =	wrdreg s2  }
0xa9: {  	[dreg:$0x3] =	wrdreg s4  }
0xaa: {  	[dreg:$0x4] =	wrdreg $0xC0  }
0xab: {  	_ =	task [dreg:s6], $0x5FFFF  }
0xac: {  	[dreg:$0x1] =	wrdreg $0xFFFFFFFF  }
0xad: {  	[dreg:$0x0] =	wrdreg $0x60  }
0xae: {  	[dreg:$0x2] =	wrdreg s24  }
0xaf: {  	[dreg:$0x3] =	wrdreg $0x9  }
0xb0: {  	_ =	task.clear_ibuf [dreg:s6], $0x4FFFF;
	_ =	strace $0x90000046  }
0xb1: {  	s29 =	simm.s32 $0x9;
	_ =	strace $0x80000048  }
0xb2: {  	_ =	swait.ge [sflag:s29], $0x1  }
0xb3: {  	[sflag:s29] =	ssyncadd.s32 $0xFFFFFFFF  }
0xb4: {  	_ =	strace $0x90000048  }
0xb5: {  	_ =	sfence  }
0xb6: {  	s30 =	sld [smem:$0x0];
	_ =	sdelay $0x2  }
0xb7: {  	s31 =	sshll.u32 s1, $0xD;
	s1 =	sshrl.u32 s1, $0x2  }
0xb8: {  	s3 =	sand.u32 $0x4000, s31;
	s1 =	sadd.s32 s1, s30  }
0xb9: {  	s0 =	sor.u32 s3, s0;
	s1 =	sshll.u32 s1, $0x11  }
0xba: {  	s0 =	sor.u32 s1, s0  }
0xbb: {  	s0 =	sadd.s32 $0x8F2B, s0  }
0xbc: {  	[sflag:s0] =	ssyncadd.remote.s32 $0x1  }
0xbd: {  	_ =	sfence.sel $0xFFFF  }
0xbe: {  	[dreg:$0x0] =	wrdreg $0xFFFFFFFF;
	(pc) =	sbr.abs _section_cstart, $3  }
0xbf: {  	[dreg:$0x1] =	wrdreg $0xFFFFFFFF  }
0xc0: {  	_ =	task.clear_ibuf [dreg:s6], $0x2FFFF;
	_ =	strace $0x9FFFFFFF  }
0xc1: {  	(tm) =	ssettm $0x7FFFFFFF  }
tec
execute0_lowered:
.L_overlay_start_1:
0x0: {  	(tag) =	ssettag $0x1  }
0x1: {  	s1 =	srdreg.scid;
	s0 =	stileid.u32  }
0x2: {  	s19 =	sand.u32 $0x1, s1;
	s30 =	sshll.u32 s0, $0x1  }
0x3: {  	s14 =	rddreg [dreg:$0x0];
	s15 =	sor.u32 s19, s30  }
0x4: {  	s2 =	simm.s32 $0x0;
	s1 =	rddreg [dreg:$0x1];
	s3 =	sshll.u32 s15, $0x7  }
0x5: {  	[smem:$0x7FF] =	sst s2;
	s3 =	sadd.s32 s3, s14  }
0x6: {  	_ =	strace $0x80000047;
	s4 =	sadd.s32 $0x3E1200, s3;
	s3 =	simm.s32 $0x2  }
0x7: {  	[tilespmem:s2], [sflag:$0x2] =	stream.linear.gather [hbm4b:s4+s2], $0x400, $0x38;
	[tilespmem:$0x10400] =	vst v63  }
0x8: {  	_ =	swait.ge [sflag:s3], $0x400  }
0x9: {  	s6 =	simm.s32 $0x80;
	[sflag:s3] =	ssyncset.done $0x0  }
0xa: {  	s7 =	simm.s32 $0x400;
	s5 =	sadd.s32 $0x1200, s14;
	[sflag:s3] =	ssyncadd.s32 $0xFFFFFC00  }
0xb: {  	[tilespmem:s7], [sflag:$0x1] =	stream.indirect.gather [hbm4b:s5+s6], $0x80, s2, s6, $0xb8;
	[tilespmem:$0x10400] =	vst v63  }
0xc: {  	s8 =	simm.s32 $0x4400  }
0xd: {  	[tilespmem:s8], [sflag:$0x1] =	stream.indirect.gather [hbm4b:s5+s6], $0x80, s6, s6, $0xb8;
	[tilespmem:$0x10400] =	vst v63  }
0xe: {  	s9 =	simm.s32 $0x100;
	s10 =	simm.s32 $0x8400  }
0xf: {  	[tilespmem:s10], [sflag:$0x1] =	stream.indirect.gather [hbm4b:s5+s6], $0x80, s9, s6, $0xb8;
	[tilespmem:$0x10400] =	vst v63  }
0x10: {  	s11 =	simm.s32 $0x180;
	s12 =	simm.s32 $0xC400;
	s13 =	simm.s32 $0x1  }
0x11: {  	[tilespmem:s12], [sflag:$0x1] =	stream.indirect.gather [hbm4b:s5+s6], $0x80, s11, s6, $0xb8;
	[tilespmem:$0x10400] =	vst v63  }
0x12: {  	_ =	swait.ge [sflag:s13], $0x4000  }
0x13: {  	[sflag:s13] =	ssyncset.done $0x0  }
0x14: {  	[sflag:s13] =	ssyncadd.s32 $0xFFFFC000  }
0x15: {  	_ =	swait.ge [sflag:s13], $0x4000  }
0x16: {  	[sflag:s13] =	ssyncset.done $0x0  }
0x17: {  	[sflag:s13] =	ssyncadd.s32 $0xFFFFC000  }
0x18: {  	_ =	swait.ge [sflag:s13], $0x4000  }
0x19: {  	[sflag:s13] =	ssyncset.done $0x0  }
0x1a: {  	[sflag:s13] =	ssyncadd.s32 $0xFFFFC000  }
0x1b: {  	s15 =	sshll.u32 s15, $0xE;
	_ =	swait.ge [sflag:s13], $0x4000  }
0x1c: {  	s20 =	sadd.s32 s15, s14;
	[sflag:s13] =	ssyncset.done $0x0  }
0x1d: {  	s14 =	sadd.s32 $0x3E2200, s20;
	[sflag:s13] =	ssyncadd.s32 $0xFFFFC000  }
0x1e: {  	[hbm4b:s14+s2] =	stream.linear.scatter [tilespmem:s7], [sflag:$0x2], $0x10000, $0x38;
	[tilespmem:$0x10400] =	vst v63  }
0x1f: {  	_ =	swait.ge [sflag:s3], $0x10000  }
0x20: {  	[sflag:s3] =	ssyncset.done $0x0  }
0x21: {  	s15 =	simm.s32 $0x200;
	[sflag:s3] =	ssyncadd.s32 $0xFFFF0000  }
0x22: {  	[tilespmem:s7], [sflag:$0x1] =	stream.indirect.gather [hbm4b:s5+s6], $0x80, s15, s6, $0xb8;
	[tilespmem:$0x10400] =	vst v63  }
0x23: {  	s16 =	simm.s32 $0x280  }
0x24: {  	[tilespmem:s8], [sflag:$0x1] =	stream.indirect.gather [hbm4b:s5+s6], $0x80, s16, s6, $0xb8;
	[tilespmem:$0x10400] =	vst v63  }
0x25: {  	s17 =	simm.s32 $0x300  }
0x26: {  	[tilespmem:s10], [sflag:$0x1] =	stream.indirect.gather [hbm4b:s5+s6], $0x80, s17, s6, $0xb8;
	[tilespmem:$0x10400] =	vst v63  }
0x27: {  	s18 =	simm.s32 $0x380  }
0x28: {  	[tilespmem:s12], [sflag:$0x1] =	stream.indirect.gather [hbm4b:s5+s6], $0x80, s18, s6, $0xb8;
	[tilespmem:$0x10400] =	vst v63  }
0x29: {  	_ =	swait.ge [sflag:s13], $0x4000  }
0x2a: {  	[sflag:s13] =	ssyncset.done $0x0  }
0x2b: {  	[sflag:s13] =	ssyncadd.s32 $0xFFFFC000  }
0x2c: {  	_ =	swait.ge [sflag:s13], $0x4000  }
0x2d: {  	[sflag:s13] =	ssyncset.done $0x0  }
0x2e: {  	s19 =	ssub.s32 $0x2, s19;
	[sflag:s13] =	ssyncadd.s32 $0xFFFFC000  }
0x2f: {  	s21 =	sshrl.u32 s19, $0x1;
	_ =	swait.ge [sflag:s13], $0x4000  }
0x30: {  	s21 =	ssub.s32 s19, s21;
	[sflag:s13] =	ssyncset.done $0x0  }
0x31: {  	s31 =	smax.u32 s21, $0x1;
	[sflag:s13] =	ssyncadd.s32 $0xFFFFC000  }
0x32: {  	p0 =	sne.s32 s31, $0x1;
	_ =	swait.ge [sflag:s13], $0x4000  }
.Ltmp0:
0x33: {  	[sflag:s13] =	ssyncset.done $0x0;
	(pc) =	sbr.rel @!p0 .LBB2_2-.Ltmp0, $4  }
0x34: {  	s19 =	sadd.s32 $0x3E4200, s20;
	[sflag:s13] =	ssyncadd.s32 $0xFFFFC000  }
0x35: {  	[hbm4b:s19+s2] =	stream.linear.scatter [tilespmem:s7], [sflag:$0x2], $0x10000, $0x38;
	[tilespmem:$0x10400] =	vst v63  }
0x36: {  	_ =	swait.ge [sflag:s3], $0x10000  }
0x37: {  	s20 =	sadd.s32 $0xFFFFFFFF, s31;
	[sflag:s3] =	ssyncset.done $0x0  }
.LBB2_1:
0x38: {  	p0 =	sne.s32 s20, $0x1;
	s20 =	sadd.s32 $0xFFFFFFFF, s20;
	[sflag:s3] =	ssyncadd.s32 $0xFFFF0000  }
0x39: {  	[tilespmem:s2], [sflag:$0x2] =	stream.linear.gather [hbm4b:s4+s2], $0x400, $0x38;
	[tilespmem:$0x10400] =	vst v63  }
0x3a: {  	_ =	swait.ge [sflag:s3], $0x400  }
0x3b: {  	[sflag:s3] =	ssyncset.done $0x0  }
0x3c: {  	[sflag:s3] =	ssyncadd.s32 $0xFFFFFC00  }
0x3d: {  	[tilespmem:s7], [sflag:$0x1] =	stream.indirect.gather [hbm4b:s5+s6], $0x80, s2, s6, $0xb8;
	[tilespmem:$0x10400] =	vst v63  }
0x3e: {  	_ = 	snop  }
0x3f: {  	[tilespmem:s8], [sflag:$0x1] =	stream.indirect.gather [hbm4b:s5+s6], $0x80, s6, s6, $0xb8;
	[tilespmem:$0x10400] =	vst v63  }
0x40: {  	_ = 	snop  }
0x41: {  	[tilespmem:s10], [sflag:$0x1] =	stream.indirect.gather [hbm4b:s5+s6], $0x80, s9, s6, $0xb8;
	[tilespmem:$0x10400] =	vst v63  }
0x42: {  	_ = 	snop  }
0x43: {  	[tilespmem:s12], [sflag:$0x1] =	stream.indirect.gather [hbm4b:s5+s6], $0x80, s11, s6, $0xb8;
	[tilespmem:$0x10400] =	vst v63  }
0x44: {  	_ =	swait.ge [sflag:s13], $0x4000  }
0x45: {  	[sflag:s13] =	ssyncset.done $0x0  }
0x46: {  	[sflag:s13] =	ssyncadd.s32 $0xFFFFC000  }
0x47: {  	_ =	swait.ge [sflag:s13], $0x4000  }
0x48: {  	[sflag:s13] =	ssyncset.done $0x0  }
0x49: {  	[sflag:s13] =	ssyncadd.s32 $0xFFFFC000  }
0x4a: {  	_ =	swait.ge [sflag:s13], $0x4000  }
0x4b: {  	[sflag:s13] =	ssyncset.done $0x0  }
0x4c: {  	[sflag:s13] =	ssyncadd.s32 $0xFFFFC000  }
0x4d: {  	_ =	swait.ge [sflag:s13], $0x4000  }
0x4e: {  	[sflag:s13] =	ssyncset.done $0x0  }
0x4f: {  	[sflag:s13] =	ssyncadd.s32 $0xFFFFC000  }
0x50: {  	[hbm4b:s14+s2] =	stream.linear.scatter [tilespmem:s7], [sflag:$0x2], $0x10000, $0x38;
	[tilespmem:$0x10400] =	vst v63  }
0x51: {  	_ =	swait.ge [sflag:s3], $0x10000  }
0x52: {  	[sflag:s3] =	ssyncset.done $0x0  }
0x53: {  	[sflag:s3] =	ssyncadd.s32 $0xFFFF0000  }
0x54: {  	[tilespmem:s7], [sflag:$0x1] =	stream.indirect.gather [hbm4b:s5+s6], $0x80, s15, s6, $0xb8;
	[tilespmem:$0x10400] =	vst v63  }
0x55: {  	_ = 	snop  }
0x56: {  	[tilespmem:s8], [sflag:$0x1] =	stream.indirect.gather [hbm4b:s5+s6], $0x80, s16, s6, $0xb8;
	[tilespmem:$0x10400] =	vst v63  }
0x57: {  	_ = 	snop  }
0x58: {  	[tilespmem:s10], [sflag:$0x1] =	stream.indirect.gather [hbm4b:s5+s6], $0x80, s17, s6, $0xb8;
	[tilespmem:$0x10400] =	vst v63  }
0x59: {  	_ = 	snop  }
0x5a: {  	[tilespmem:s12], [sflag:$0x1] =	stream.indirect.gather [hbm4b:s5+s6], $0x80, s18, s6, $0xb8;
	[tilespmem:$0x10400] =	vst v63  }
0x5b: {  	_ =	swait.ge [sflag:s13], $0x4000  }
0x5c: {  	[sflag:s13] =	ssyncset.done $0x0  }
0x5d: {  	[sflag:s13] =	ssyncadd.s32 $0xFFFFC000  }
0x5e: {  	_ =	swait.ge [sflag:s13], $0x4000  }
0x5f: {  	[sflag:s13] =	ssyncset.done $0x0  }
0x60: {  	[sflag:s13] =	ssyncadd.s32 $0xFFFFC000  }
0x61: {  	_ =	swait.ge [sflag:s13], $0x4000  }
0x62: {  	[sflag:s13] =	ssyncset.done $0x0  }
0x63: {  	[sflag:s13] =	ssyncadd.s32 $0xFFFFC000  }
0x64: {  	_ =	swait.ge [sflag:s13], $0x4000  }
.Ltmp1:
0x65: {  	[sflag:s13] =	ssyncset.done $0x0;
	(pc) =	sbr.rel @p0 .LBB2_1-.Ltmp1, $4  }
0x66: {  	[sflag:s13] =	ssyncadd.s32 $0xFFFFC000  }
0x67: {  	[hbm4b:s19+s2] =	stream.linear.scatter [tilespmem:s7], [sflag:$0x2], $0x10000, $0x38;
	[tilespmem:$0x10400] =	vst v63  }
0x68: {  	_ =	swait.ge [sflag:s3], $0x10000  }
0x69: {  	[sflag:s3] =	ssyncset.done $0x0  }
.LBB2_2:
0x6a: {  	[sflag:s3] =	ssyncadd.s32 $0xFFFF0000  }
0x6b: {  	_ =	sfence.sel $0x180000  }
0x6c: {  	[bflag:$0x0] =	sbarrier.arrive $0xFFFF  }
0x6d: {  	p0 =	sne.s32 s0, $0x0;
	_ =	strace $0x90000047  }
0x6e: {  	s0 =	sadd.s32 @!p0 $0x100000, s1;
	[bflag:$0x2] =	sbarrier.arrive $0xFFFF  }
0x6f: {  	[sflag:s0] =	ssyncadd.tile.s32 @!p0 $0x1;
	_ =	shalt  }
.Lfunc_end2:
_tile_overlayer_lowered:
.L_overlay_start_2:
0x70: {  	(tag) =	ssettag $0x2  }
0x71: {  	s0 =	rddreg [dreg:$0x0];
	s2 =	stileid.u32  }
0x72: {  	s1 =	rddreg [dreg:$0x1];
	p0 =	sne.s32 s2, $0x0  }
0x73: {  	s3 =	rddreg [dreg:$0x2];
	[bflag:$0x3] =	sbarrier.arrive $0xFFFF;
	s2 =	simm.s32 @!p0 $0x1C02  }
0x74: {  	[timem:s3], [sflag:s2] =	dma.local @!p0 [hbm:s0], s1  }
0x75: {  	s0 =	simm.s32 @!p0 $0x2  }
0x76: {  	_ =	swait.ge @!p0 [sflag:s0], s1  }
0x77: {  	s1 =	ssub.s32 @!p0 $0x0, s1;
	[sflag:s0] =	ssyncset.done @!p0 $0x0  }
0x78: {  	[sflag:s0] =	ssyncadd.s32 @!p0 s1  }
0x79: {  	[bflag:$0x3] =	sbarrier.arrive $0xFFFF  }
0x7a: {  	_ =	shalt  }

</sc_bundles>
